<compile_context>
chip_gen: v7x
topology: tpu7x:2x2x1
jax: 0.10.2.dev20260603
libtpu: 0.0.44.dev20260713+nightly
codegen_flags: <defaults>
</compile_context>

<pallas_src>
import functools

import jax
import jax.numpy as jnp
from jax.experimental import pallas as pl
from jax.experimental.pallas import tpu as pltpu

_N = 5000
_T = 128
_NT_FULL = 40
_NPAD = _NT_FULL * _T
_K = 384
_IOU = 0.5
_MAXDET = 300
_KPAD = 304


def _kill(x1a, y1a, x2a, y2a, aa, x1b, y1b, x2b, y2b, ab):
    ltx = jnp.maximum(x1a, x1b)
    lty = jnp.maximum(y1a, y1b)
    rbx = jnp.minimum(x2a, x2b)
    rby = jnp.minimum(y2a, y2b)
    w = jnp.maximum(rbx - ltx, 0.0)
    h = jnp.maximum(rby - lty, 0.0)
    inter = w * h
    union = (aa + ab) - inter
    iou = inter / jnp.maximum(union, 1e-9)
    return jnp.where(iou > _IOU, 1.0, 0.0)


def _nms_body(nt, d_ref, dt_ref, out_ref, cnt_ref, alive_ref):
    f32 = jnp.float32
    ii = jax.lax.broadcasted_iota(jnp.int32, (_T, _T), 0)
    jj = jax.lax.broadcasted_iota(jnp.int32, (_T, _T), 1)
    lower = jnp.where(jj < ii, 1.0, 0.0).astype(f32)
    upper = jnp.where(ii < jj, 1.0, 0.0).astype(f32)
    ident = jnp.where(ii == jj, 1.0, 0.0).astype(f32)
    kio = jax.lax.broadcasted_iota(jnp.int32, (_KPAD, 1), 0).astype(f32)

    out_ref[:, :] = jnp.zeros((_KPAD, 8), f32)

    def outer_cond(carry):
        t, count = carry
        return jnp.logical_and(t < nt, count < float(_MAXDET))

    def tile(carry):
        t, count = carry
        ts = t * _T
        x1i = d_ref[pl.ds(ts, _T), 0:1]
        y1i = d_ref[pl.ds(ts, _T), 1:2]
        x2i = d_ref[pl.ds(ts, _T), 2:3]
        y2i = d_ref[pl.ds(ts, _T), 3:4]
        ai = (x2i - x1i) * (y2i - y1i)

        def prev(c, cnt):
            cs = c * _T
            x1j = dt_ref[0:1, pl.ds(cs, _T)]
            y1j = dt_ref[1:2, pl.ds(cs, _T)]
            x2j = dt_ref[2:3, pl.ds(cs, _T)]
            y2j = dt_ref[3:4, pl.ds(cs, _T)]
            aj = (x2j - x1j) * (y2j - y1j)
            kill = _kill(x1i, y1i, x2i, y2i, ai, x1j, y1j, x2j, y2j, aj)
            av = alive_ref[0:1, pl.ds(cs, _T)]
            return cnt + jnp.sum(kill * av, axis=1, keepdims=True)

        ext_cnt = jax.lax.fori_loop(0, t, prev, jnp.zeros((_T, 1), f32))
        ext_alive = jnp.where(ext_cnt < 0.5, 1.0, 0.0).astype(f32)

        x1j = dt_ref[0:1, pl.ds(ts, _T)]
        y1j = dt_ref[1:2, pl.ds(ts, _T)]
        x2j = dt_ref[2:3, pl.ds(ts, _T)]
        y2j = dt_ref[3:4, pl.ds(ts, _T)]
        aj = (x2j - x1j) * (y2j - y1j)
        s_mat = _kill(x1i, y1i, x2i, y2i, ai, x1j, y1j, x2j, y2j, aj) * lower

        def fix_cond(fcarry):
            return jnp.logical_not(fcarry[1])

        def fix_body(fcarry):
            alive, _ = fcarry
            fcnt = jnp.dot(s_mat, alive, preferred_element_type=f32)
            new = ext_alive * jnp.where(fcnt < 0.5, 1.0, 0.0)
            return new, jnp.all(new == alive)

        alive, _ = jax.lax.while_loop(
            fix_cond, fix_body, (ext_alive, jnp.array(False)))

        alive_row = jax.lax.dot_general(
            alive, ident, (((0,), (0,)), ((), ())), preferred_element_type=f32)
        alive_ref[0:1, pl.ds(ts, _T)] = alive_row

        vi = dt_ref[9:10, pl.ds(ts, _T)]
        keep = alive_row * vi
        rank = count + jnp.dot(keep, upper, preferred_element_type=f32)
        match = jnp.where(kio == rank, 1.0, 0.0) * keep
        dtile = d_ref[pl.ds(ts, _T), 4:12]
        out_ref[:, :] = out_ref[:, :] + jnp.dot(
            match, dtile, preferred_element_type=f32,
            precision=jax.lax.Precision.HIGHEST)
        return t + 1, count + jnp.sum(keep)

    _, count = jax.lax.while_loop(
        outer_cond, tile, (jnp.zeros((), jnp.int32), jnp.zeros((), f32)))
    cnt_ref[:, :] = jnp.full((1, 1), count, f32)


def _nms_small_body(d_ref, dt_ref, out_ref, cnt_ref):
    f32 = jnp.float32
    ii = jax.lax.broadcasted_iota(jnp.int32, (_K, _K), 0)
    jj = jax.lax.broadcasted_iota(jnp.int32, (_K, _K), 1)
    lower = jnp.where(jj < ii, 1.0, 0.0).astype(f32)
    kio = jax.lax.broadcasted_iota(jnp.int32, (1, _KPAD), 1).astype(f32)

    x1i = d_ref[:, 0:1]
    y1i = d_ref[:, 1:2]
    x2i = d_ref[:, 2:3]
    y2i = d_ref[:, 3:4]
    ai = (x2i - x1i) * (y2i - y1i)
    x1j = dt_ref[0:1, :]
    y1j = dt_ref[1:2, :]
    x2j = dt_ref[2:3, :]
    y2j = dt_ref[3:4, :]
    aj = (x2j - x1j) * (y2j - y1j)
    s_mat = _kill(x1i, y1i, x2i, y2i, ai, x1j, y1j, x2j, y2j, aj) * lower

    def fix_cond(fcarry):
        return jnp.logical_not(fcarry[1])

    def fix_body(fcarry):
        alive, _ = fcarry
        fcnt = jnp.dot(s_mat, alive, preferred_element_type=f32)
        new = jnp.where(fcnt < 0.5, 1.0, 0.0)
        return new, jnp.all(new == alive)

    alive, _ = jax.lax.while_loop(
        fix_cond, fix_body, (jnp.ones((_K, 1), f32), jnp.array(False)))

    rank = jnp.dot(lower, alive, preferred_element_type=f32)
    match = jnp.where(rank == kio, 1.0, 0.0) * alive
    dsel = d_ref[:, 4:12]
    out_ref[:, :] = jax.lax.dot_general(
        match, dsel, (((0,), (0,)), ((), ())),
        preferred_element_type=f32, precision=jax.lax.Precision.HIGHEST)
    cnt_ref[:, :] = jnp.full((1, 1), jnp.sum(alive), f32)


def _run_nms_small(d):
    f32 = jnp.float32
    return pl.pallas_call(
        _nms_small_body,
        out_shape=(jax.ShapeDtypeStruct((_KPAD, 8), f32),
                   jax.ShapeDtypeStruct((1, 1), f32)),
    )(d, d.T)


def _run_nms(d):
    nt = d.shape[0] // _T
    f32 = jnp.float32
    return pl.pallas_call(
        functools.partial(_nms_body, nt),
        out_shape=(jax.ShapeDtypeStruct((_KPAD, 8), f32),
                   jax.ShapeDtypeStruct((1, 1), f32)),
        scratch_shapes=[pltpu.VMEM((1, nt * _T), f32)],
    )(d, d.T)


def kernel(boxes, scores, labels):
    f32 = jnp.float32
    ls = labels.astype(f32)
    max_coord = jnp.max(boxes) + 1.0

    vals, idx = jax.lax.top_k(scores, _K)
    bk = boxes[idx]
    lk = ls[idx]
    dk = jnp.concatenate([
        bk + (lk * max_coord)[:, None],
        bk,
        vals[:, None],
        jnp.ones((_K, 1), f32),
        jnp.zeros((_K, 6), f32),
    ], axis=1)
    out_k, cnt_k = _run_nms_small(dk)

    def full_path(_):
        order = jnp.argsort(-scores)
        raw = jnp.concatenate([
            boxes + (ls * max_coord)[:, None],
            boxes,
            scores[:, None],
            jnp.ones((_N, 1), f32),
            jnp.zeros((_N, 6), f32),
        ], axis=1)
        d = jnp.zeros((_NPAD, 16), f32).at[:_N].set(raw[order])
        return _run_nms(d)[0]

    out = jax.lax.cond(
        cnt_k[0, 0] >= float(_MAXDET), lambda _: out_k, full_path, None)
    return out[:_MAXDET, :5]

# --- scband reference (transcript-rebuilt; emitter-appended) ---
"""Pipeline reference for scband-dense-det-36764920053807 (READ-ONLY COPY).

The authoritative reference and input builder live on the scoring server;
editing this copy changes nothing except your own understanding.
"""

import jax, jax.numpy as jnp
import numpy as np

N = 5000
NUM_CLASSES = 80
IOU_THRESH = 0.5
MAX_DET = 300


def setup_inputs(seed: int = 0) -> dict:
    key = jax.random.key(seed)
    k1, k2, k3 = jax.random.split(key, 3)
    pts = jax.random.uniform(k1, (N, 4), minval=0.0, maxval=1024.0)
    x1 = jnp.minimum(pts[:, 0], pts[:, 2])
    x2 = jnp.maximum(pts[:, 0], pts[:, 2]) + 1.0
    y1 = jnp.minimum(pts[:, 1], pts[:, 3])
    y2 = jnp.maximum(pts[:, 1], pts[:, 3]) + 1.0
    boxes = jnp.stack([x1, y1, x2, y2], axis=1)
    scores = jax.random.uniform(k2, (N,), minval=0.0, maxval=1.0)
    labels = jax.random.randint(k3, (N,), 0, NUM_CLASSES)
    return {"boxes": boxes, "scores": scores, "labels": labels}


def _pairwise_iou(b):
    area = (b[:, 2] - b[:, 0]) * (b[:, 3] - b[:, 1])
    lt = jnp.maximum(b[:, None, :2], b[None, :, :2])
    rb = jnp.minimum(b[:, None, 2:], b[None, :, 2:])
    wh = jnp.clip(rb - lt, 0.0, None)
    inter = wh[..., 0] * wh[..., 1]
    union = area[:, None] + area[None, :] - inter
    return inter / jnp.maximum(union, 1e-9)


def _nms_keep(boxes_sorted, labels_sorted, iou_thresh):
    # class-aware (batched) NMS: offset boxes per label so different
    # classes never overlap, same trick as torchvision.ops.batched_nms
    max_coord = jnp.max(boxes_sorted) + 1.0
    offs = labels_sorted.astype(boxes_sorted.dtype) * max_coord
    b = boxes_sorted + offs[:, None]
    iou = _pairwise_iou(b)
    n = boxes_sorted.shape[0]
    idxs = jnp.arange(n)

    def body(i, keep):
        earlier = (idxs < i) & keep
        suppressed = jnp.any(earlier & (iou[:, i] > iou_thresh))
        return keep.at[i].set(jnp.logical_not(suppressed))

    keep = jax.lax.fori_loop(0, n, body, jnp.ones((n,), dtype=bool))
    return keep


def reference(boxes, scores, labels):
    # greedy class-aware NMS over score-sorted candidates, capped at MAX_DET
    order = jnp.argsort(-scores)
    boxes_s = boxes[order]
    labels_s = labels[order]
    scores_s = scores[order]
    keep = _nms_keep(boxes_s, labels_s, IOU_THRESH)
    masked = jnp.where(keep, scores_s, -1e30)
    vals, ti = jax.lax.top_k(masked, MAX_DET)
    sel_boxes = boxes_s[ti]
    valid = (vals > -1e29).astype(boxes.dtype)
    out = jnp.concatenate([sel_boxes * valid[:, None], (vals * valid)[:, None]], axis=1)
    return out

if __name__ == "__main__":
    import jax
    _d = setup_inputs()
    print(jax.jit(kernel)(*tuple(_d.values())))

</pallas_src>

<mosaic_0001>
module attributes {stable_mosaic.version = 14 : i64} {
  func.func @_nms_small_body(%arg0: memref<384x16xf32, #tpu.memory_space<vmem>>, %arg1: memref<16x384xf32, #tpu.memory_space<vmem>>, %arg2: memref<304x8xf32, #tpu.memory_space<vmem>>, %arg3: memref<1x1xf32, #tpu.memory_space<vmem>>) attributes {dimension_semantics = [], scalar_prefetch = 0 : i64, scratch_operands = 0 : i64, tpu.core_type = #tpu.core_type<tc>} {
    %iota3A = tpu.iota {dimensions = array<i32: 0>} : vector<384x384xi32>
    %iota3A_0 = tpu.iota {dimensions = array<i32: 1>} : vector<384x384xi32>
    %lt3A = arith.cmpi slt, %iota3A_0, %iota3A : vector<384x384xi32>
    %jit3A = arith.constant 1.000000e+00 : f32
    %jit3A_1 = arith.constant 0.000000e+00 : f32
    %broadcast_in_dim3A = vector.broadcast %jit3A : f32 to vector<384x384xf32>
    %broadcast_in_dim3A_2 = vector.broadcast %jit3A_1 : f32 to vector<384x384xf32>
    %select_n3A = arith.select %lt3A, %broadcast_in_dim3A, %broadcast_in_dim3A_2 : vector<384x384xi1>, vector<384x384xf32>
    %iota3A_3 = tpu.iota {dimensions = array<i32: 1>} : vector<1x304xi32>
    %convert_element_type3A = arith.sitofp %iota3A_3 : vector<1x304xi32> to vector<1x304xf32>
    %get3A = arith.constant 0 : index
    %get3A_4 = arith.constant 0 : index
    %get3A_5 = vector.load %arg0[%get3A, %get3A_4] : memref<384x16xf32, #tpu.memory_space<vmem>>, vector<384x1xf32>
    %get3A_6 = arith.constant 0 : index
    %get3A_7 = arith.constant 1 : index
    %get3A_8 = vector.load %arg0[%get3A_6, %get3A_7] : memref<384x16xf32, #tpu.memory_space<vmem>>, vector<384x1xf32>
    %get3A_9 = arith.constant 0 : index
    %get3A_10 = arith.constant 2 : index
    %get3A_11 = vector.load %arg0[%get3A_9, %get3A_10] : memref<384x16xf32, #tpu.memory_space<vmem>>, vector<384x1xf32>
    %get3A_12 = arith.constant 0 : index
    %get3A_13 = arith.constant 3 : index
    %get3A_14 = vector.load %arg0[%get3A_12, %get3A_13] : memref<384x16xf32, #tpu.memory_space<vmem>>, vector<384x1xf32>
    %sub3A = arith.subf %get3A_11, %get3A_5 : vector<384x1xf32>
    %sub3A_15 = arith.subf %get3A_14, %get3A_8 : vector<384x1xf32>
    %mul3A = arith.mulf %sub3A, %sub3A_15 : vector<384x1xf32>
    %get3A_16 = arith.constant 0 : index
    %get3A_17 = arith.constant 0 : index
    %get3A_18 = vector.load %arg1[%get3A_16, %get3A_17] : memref<16x384xf32, #tpu.memory_space<vmem>>, vector<1x384xf32>
    %get3A_19 = arith.constant 1 : index
    %get3A_20 = arith.constant 0 : index
    %get3A_21 = vector.load %arg1[%get3A_19, %get3A_20] : memref<16x384xf32, #tpu.memory_space<vmem>>, vector<1x384xf32>
    %get3A_22 = arith.constant 2 : index
    %get3A_23 = arith.constant 0 : index
    %get3A_24 = vector.load %arg1[%get3A_22, %get3A_23] : memref<16x384xf32, #tpu.memory_space<vmem>>, vector<1x384xf32>
    %get3A_25 = arith.constant 3 : index
    %get3A_26 = arith.constant 0 : index
    %get3A_27 = vector.load %arg1[%get3A_25, %get3A_26] : memref<16x384xf32, #tpu.memory_space<vmem>>, vector<1x384xf32>
    %sub3A_28 = arith.subf %get3A_24, %get3A_18 : vector<1x384xf32>
    %sub3A_29 = arith.subf %get3A_27, %get3A_21 : vector<1x384xf32>
    %mul3A_30 = arith.mulf %sub3A_28, %sub3A_29 : vector<1x384xf32>
    %max3A = vector.broadcast %get3A_5 : vector<384x1xf32> to vector<384x384xf32>
    %max3A_31 = vector.broadcast %get3A_18 : vector<1x384xf32> to vector<384x384xf32>
    %max3A_32 = arith.maximumf %max3A, %max3A_31 : vector<384x384xf32>
    %max3A_33 = vector.broadcast %get3A_8 : vector<384x1xf32> to vector<384x384xf32>
    %max3A_34 = vector.broadcast %get3A_21 : vector<1x384xf32> to vector<384x384xf32>
    %max3A_35 = arith.maximumf %max3A_33, %max3A_34 : vector<384x384xf32>
    %min3A = vector.broadcast %get3A_11 : vector<384x1xf32> to vector<384x384xf32>
    %min3A_36 = vector.broadcast %get3A_24 : vector<1x384xf32> to vector<384x384xf32>
    %min3A_37 = arith.minimumf %min3A, %min3A_36 : vector<384x384xf32>
    %min3A_38 = vector.broadcast %get3A_14 : vector<384x1xf32> to vector<384x384xf32>
    %min3A_39 = vector.broadcast %get3A_27 : vector<1x384xf32> to vector<384x384xf32>
    %min3A_40 = arith.minimumf %min3A_38, %min3A_39 : vector<384x384xf32>
    %sub3A_41 = arith.subf %min3A_37, %max3A_32 : vector<384x384xf32>
    %max3A_42 = arith.constant 0.000000e+00 : f32
    %max3A_43 = vector.broadcast %max3A_42 : f32 to vector<384x384xf32>
    %max3A_44 = arith.maximumf %sub3A_41, %max3A_43 : vector<384x384xf32>
    %sub3A_45 = arith.subf %min3A_40, %max3A_35 : vector<384x384xf32>
    %max3A_46 = arith.constant 0.000000e+00 : f32
    %max3A_47 = vector.broadcast %max3A_46 : f32 to vector<384x384xf32>
    %max3A_48 = arith.maximumf %sub3A_45, %max3A_47 : vector<384x384xf32>
    %mul3A_49 = arith.mulf %max3A_44, %max3A_48 : vector<384x384xf32>
    %add3A = vector.broadcast %mul3A : vector<384x1xf32> to vector<384x384xf32>
    %add3A_50 = vector.broadcast %mul3A_30 : vector<1x384xf32> to vector<384x384xf32>
    %add3A_51 = arith.addf %add3A, %add3A_50 : vector<384x384xf32>
    %sub3A_52 = arith.subf %add3A_51, %mul3A_49 : vector<384x384xf32>
    %max3A_53 = arith.constant 9.99999971E-10 : f32
    %max3A_54 = vector.broadcast %max3A_53 : f32 to vector<384x384xf32>
    %max3A_55 = arith.maximumf %sub3A_52, %max3A_54 : vector<384x384xf32>
    %div3A = arith.divf %mul3A_49, %max3A_55 : vector<384x384xf32>
    %gt3A = arith.constant 5.000000e-01 : f32
    %gt3A_56 = vector.broadcast %gt3A : f32 to vector<384x384xf32>
    %gt3A_57 = arith.cmpf ogt, %div3A, %gt3A_56 : vector<384x384xf32>
    %jit3A_58 = arith.constant 1.000000e+00 : f32
    %jit3A_59 = arith.constant 0.000000e+00 : f32
    %broadcast_in_dim3A_60 = vector.broadcast %jit3A_58 : f32 to vector<384x384xf32>
    %broadcast_in_dim3A_61 = vector.broadcast %jit3A_59 : f32 to vector<384x384xf32>
    %select_n3A_62 = arith.select %gt3A_57, %broadcast_in_dim3A_60, %broadcast_in_dim3A_61 : vector<384x384xi1>, vector<384x384xf32>
    %mul3A_63 = arith.mulf %select_n3A_62, %select_n3A : vector<384x384xf32>
    %broadcast_in_dim3A_64 = arith.constant 1.000000e+00 : f32
    %broadcast_in_dim3A_65 = vector.broadcast %broadcast_in_dim3A_64 : f32 to vector<384x1xf32>
    %while3A = arith.constant false
    %while3A_66:2 = scf.while (%while3A_92 = %broadcast_in_dim3A_65, %while3A_93 = %while3A) : (vector<384x1xf32>, i1) -> (vector<384x1xf32>, i1) {
      %not3A = arith.constant true
      %not3A_94 = arith.xori %while3A_93, %not3A : i1
      scf.condition(%not3A_94) %while3A_92, %while3A_93 : vector<384x1xf32>, i1
    } do {
    ^bb0(%while3A_92: vector<384x1xf32>, %while3A_93: i1):
      %dot_general3A_94 = arith.constant dense<0.000000e+00> : vector<384x1xf32>
      %dot_general3A_95 = tpu.matmul %mul3A_63, %while3A_92, %dot_general3A_94 {dimension_numbers = #tpu.dot_dimension_numbers<[1], [0], [0], [1], [0, 0, 1, 1], [], []>, transpose_lhs_hint = false} : vector<384x384xf32>, vector<384x1xf32>, vector<384x1xf32> -> vector<384x1xf32>
      %lt3A_96 = arith.constant 5.000000e-01 : f32
      %lt3A_97 = vector.broadcast %lt3A_96 : f32 to vector<384x1xf32>
      %lt3A_98 = arith.cmpf olt, %dot_general3A_95, %lt3A_97 : vector<384x1xf32>
      %jit3A_99 = arith.constant 1.000000e+00 : f32
      %jit3A_100 = arith.constant 0.000000e+00 : f32
      %broadcast_in_dim3A_101 = vector.broadcast %jit3A_99 : f32 to vector<384x1xf32>
      %broadcast_in_dim3A_102 = vector.broadcast %jit3A_100 : f32 to vector<384x1xf32>
      %select_n3A_103 = arith.select %lt3A_98, %broadcast_in_dim3A_101, %broadcast_in_dim3A_102 : vector<384x1xi1>, vector<384x1xf32>
      %eq3A_104 = arith.cmpf oeq, %select_n3A_103, %while3A_92 : vector<384x1xf32>
      %reduce_and3A = arith.constant 1.000000e+00 : f32
      %reduce_and3A_105 = arith.constant 0.000000e+00 : f32
      %reduce_and3A_106 = vector.broadcast %reduce_and3A : f32 to vector<384x1xf32>
      %reduce_and3A_107 = vector.broadcast %reduce_and3A_105 : f32 to vector<384x1xf32>
      %reduce_and3A_108 = arith.select %eq3A_104, %reduce_and3A_106, %reduce_and3A_107 : vector<384x1xi1>, vector<384x1xf32>
      %reduce_and3A_109 = vector.shape_cast %reduce_and3A_108 : vector<384x1xf32> to vector<1x384x1xf32>
      %reduce_and3A_110 = arith.constant dense<0x7F800000> : vector<1xf32>
      %reduce_and3A_111 = vector.multi_reduction <minimumf>, %reduce_and3A_109, %reduce_and3A_110 [1, 2] : vector<1x384x1xf32> to vector<1xf32>
      %reduce_and3A_112 = vector.shape_cast %reduce_and3A_111 : vector<1xf32> to vector<1x1x1xf32>
      %reduce_and3A_113 = vector.extract %reduce_and3A_112[0, 0, 0] : f32 from vector<1x1x1xf32>
      %reduce_and3A_114 = arith.constant 0.000000e+00 : f32
      %reduce_and3A_115 = arith.cmpf ogt, %reduce_and3A_113, %reduce_and3A_114 : f32
      scf.yield %select_n3A_103, %reduce_and3A_115 : vector<384x1xf32>, i1
    }
    %dot_general3A = arith.constant dense<0.000000e+00> : vector<384x1xf32>
    %dot_general3A_67 = tpu.matmul %select_n3A, %while3A_66#0, %dot_general3A {dimension_numbers = #tpu.dot_dimension_numbers<[1], [0], [0], [1], [0, 0, 1, 1], [], []>, transpose_lhs_hint = false} : vector<384x384xf32>, vector<384x1xf32>, vector<384x1xf32> -> vector<384x1xf32>
    %eq3A = vector.broadcast %dot_general3A_67 : vector<384x1xf32> to vector<384x304xf32>
    %eq3A_68 = vector.broadcast %convert_element_type3A : vector<1x304xf32> to vector<384x304xf32>
    %eq3A_69 = arith.cmpf oeq, %eq3A, %eq3A_68 : vector<384x304xf32>
    %jit3A_70 = arith.constant 1.000000e+00 : f32
    %jit3A_71 = arith.constant 0.000000e+00 : f32
    %broadcast_in_dim3A_72 = vector.broadcast %jit3A_70 : f32 to vector<384x304xf32>
    %broadcast_in_dim3A_73 = vector.broadcast %jit3A_71 : f32 to vector<384x304xf32>
    %select_n3A_74 = arith.select %eq3A_69, %broadcast_in_dim3A_72, %broadcast_in_dim3A_73 : vector<384x304xi1>, vector<384x304xf32>
    %mul3A_75 = vector.broadcast %while3A_66#0 : vector<384x1xf32> to vector<384x304xf32>
    %mul3A_76 = arith.mulf %select_n3A_74, %mul3A_75 : vector<384x304xf32>
    %get3A_77 = arith.constant 0 : index
    %get3A_78 = arith.constant 4 : index
    %get3A_79 = vector.load %arg0[%get3A_77, %get3A_78] : memref<384x16xf32, #tpu.memory_space<vmem>>, vector<384x8xf32>
    %dot_general3A_80 = arith.constant dense<0.000000e+00> : vector<304x8xf32>
    %dot_general3A_81 = tpu.matmul %mul3A_76, %get3A_79, %dot_general3A_80 {dimension_numbers = #tpu.dot_dimension_numbers<[0], [0], [1], [1], [0, 1, 1, 1], [], []>, precision = #tpu.contract_precision<fp32>, transpose_lhs_hint = false} : vector<384x304xf32>, vector<384x8xf32>, vector<304x8xf32> -> vector<304x8xf32>
    %swap3A = arith.constant 0 : index
    %swap3A_82 = arith.constant 0 : index
    %swap3A_83 = vector.load %arg2[%swap3A, %swap3A_82] : memref<304x8xf32, #tpu.memory_space<vmem>>, vector<304x8xf32>
    tpu.vector_store %arg2[%swap3A, %swap3A_82], %dot_general3A_81 {strides = array<i32>} : memref<304x8xf32, #tpu.memory_space<vmem>>, vector<304x8xf32>,
    %reduce_sum3A = vector.shape_cast %while3A_66#0 : vector<384x1xf32> to vector<1x384x1xf32>
    %reduce_sum3A_84 = arith.constant dense<0.000000e+00> : vector<1xf32>
    %reduce_sum3A_85 = vector.multi_reduction <add>, %reduce_sum3A, %reduce_sum3A_84 [1, 2] : vector<1x384x1xf32> to vector<1xf32>
    %reduce_sum3A_86 = vector.shape_cast %reduce_sum3A_85 : vector<1xf32> to vector<1x1x1xf32>
    %reduce_sum3A_87 = vector.extract %reduce_sum3A_86[0, 0, 0] : f32 from vector<1x1x1xf32>
    %broadcast_in_dim3A_88 = vector.broadcast %reduce_sum3A_87 : f32 to vector<1x1xf32>
    %swap3A_89 = arith.constant 0 : index
    %swap3A_90 = arith.constant 0 : index
    %swap3A_91 = vector.load %arg3[%swap3A_89, %swap3A_90] : memref<1x1xf32, #tpu.memory_space<vmem>>, vector<1x1xf32>
    tpu.vector_store %arg3[%swap3A_89, %swap3A_90], %broadcast_in_dim3A_88 {strides = array<i32>} : memref<1x1xf32, #tpu.memory_space<vmem>>, vector<1x1xf32>,
    return
  }
}

module attributes {stable_mosaic.version = 14 : i64} {
  func.func @_nms_body(%arg0: memref<5120x16xf32, #tpu.memory_space<vmem>>, %arg1: memref<16x5120xf32, #tpu.memory_space<vmem>>, %arg2: memref<304x8xf32, #tpu.memory_space<vmem>>, %arg3: memref<1x1xf32, #tpu.memory_space<vmem>>, %arg4: memref<1x5120xf32, #tpu.memory_space<vmem>>) attributes {dimension_semantics = [], scalar_prefetch = 0 : i64, scratch_operands = 1 : i64, tpu.core_type = #tpu.core_type<tc>} {
    %iota3A = tpu.iota {dimensions = array<i32: 0>} : vector<128x128xi32>
    %iota3A_0 = tpu.iota {dimensions = array<i32: 1>} : vector<128x128xi32>
    %lt3A = arith.cmpi slt, %iota3A_0, %iota3A : vector<128x128xi32>
    %jit3A = arith.constant 1.000000e+00 : f32
    %jit3A_1 = arith.constant 0.000000e+00 : f32
    %broadcast_in_dim3A = vector.broadcast %jit3A : f32 to vector<128x128xf32>
    %broadcast_in_dim3A_2 = vector.broadcast %jit3A_1 : f32 to vector<128x128xf32>
    %select_n3A = arith.select %lt3A, %broadcast_in_dim3A, %broadcast_in_dim3A_2 : vector<128x128xi1>, vector<128x128xf32>
    %lt3A_3 = arith.cmpi slt, %iota3A, %iota3A_0 : vector<128x128xi32>
    %jit3A_4 = arith.constant 1.000000e+00 : f32
    %jit3A_5 = arith.constant 0.000000e+00 : f32
    %broadcast_in_dim3A_6 = vector.broadcast %jit3A_4 : f32 to vector<128x128xf32>
    %broadcast_in_dim3A_7 = vector.broadcast %jit3A_5 : f32 to vector<128x128xf32>
    %select_n3A_8 = arith.select %lt3A_3, %broadcast_in_dim3A_6, %broadcast_in_dim3A_7 : vector<128x128xi1>, vector<128x128xf32>
    %eq3A = arith.cmpi eq, %iota3A, %iota3A_0 : vector<128x128xi32>
    %jit3A_9 = arith.constant 1.000000e+00 : f32
    %jit3A_10 = arith.constant 0.000000e+00 : f32
    %broadcast_in_dim3A_11 = vector.broadcast %jit3A_9 : f32 to vector<128x128xf32>
    %broadcast_in_dim3A_12 = vector.broadcast %jit3A_10 : f32 to vector<128x128xf32>
    %select_n3A_13 = arith.select %eq3A, %broadcast_in_dim3A_11, %broadcast_in_dim3A_12 : vector<128x128xi1>, vector<128x128xf32>
    %iota3A_14 = tpu.iota {dimensions = array<i32: 0>} : vector<304x1xi32>
    %convert_element_type3A = arith.sitofp %iota3A_14 : vector<304x1xi32> to vector<304x1xf32>
    %broadcast_in_dim3A_15 = arith.constant 0.000000e+00 : f32
    %broadcast_in_dim3A_16 = vector.broadcast %broadcast_in_dim3A_15 : f32 to vector<304x8xf32>
    %swap3A = arith.constant 0 : index
    %swap3A_17 = arith.constant 0 : index
    %swap3A_18 = vector.load %arg2[%swap3A, %swap3A_17] : memref<304x8xf32, #tpu.memory_space<vmem>>, vector<304x8xf32>
    tpu.vector_store %arg2[%swap3A, %swap3A_17], %broadcast_in_dim3A_16 {strides = array<i32>} : memref<304x8xf32, #tpu.memory_space<vmem>>, vector<304x8xf32>,
    %while3A = arith.constant 0 : i32
    %while3A_19 = arith.constant 0.000000e+00 : f32
    %while3A_20:2 = scf.while (%while3A_25 = %while3A, %while3A_26 = %while3A_19) : (i32, f32) -> (i32, f32) {
      %lt3A_27 = arith.constant 40 : i32
      %lt3A_28 = arith.cmpi slt, %while3A_25, %lt3A_27 : i32
      %lt3A_29 = arith.constant 3.000000e+02 : f32
      %lt3A_30 = arith.cmpf olt, %while3A_26, %lt3A_29 : f32
      %and3A = arith.andi %lt3A_28, %lt3A_30 : i1
      scf.condition(%and3A) %while3A_25, %while3A_26 : i32, f32
    } do {
    ^bb0(%while3A_25: i32, %while3A_26: f32):
      %mul3A = arith.constant 128 : i32
      %mul3A_27 = arith.muli %while3A_25, %mul3A : i32
      %get3A = arith.index_cast %mul3A_27 : i32 to index
      %get3A_28 = arith.constant 0 : index
      %get3A_29 = vector.load %arg0[%get3A, %get3A_28] : memref<5120x16xf32, #tpu.memory_space<vmem>>, vector<128x1xf32>
      %get3A_30 = arith.index_cast %mul3A_27 : i32 to index
      %get3A_31 = arith.constant 1 : index
      %get3A_32 = vector.load %arg0[%get3A_30, %get3A_31] : memref<5120x16xf32, #tpu.memory_space<vmem>>, vector<128x1xf32>
      %get3A_33 = arith.index_cast %mul3A_27 : i32 to index
      %get3A_34 = arith.constant 2 : index
      %get3A_35 = vector.load %arg0[%get3A_33, %get3A_34] : memref<5120x16xf32, #tpu.memory_space<vmem>>, vector<128x1xf32>
      %get3A_36 = arith.index_cast %mul3A_27 : i32 to index
      %get3A_37 = arith.constant 3 : index
      %get3A_38 = vector.load %arg0[%get3A_36, %get3A_37] : memref<5120x16xf32, #tpu.memory_space<vmem>>, vector<128x1xf32>
      %sub3A = arith.subf %get3A_35, %get3A_29 : vector<128x1xf32>
      %sub3A_39 = arith.subf %get3A_38, %get3A_32 : vector<128x1xf32>
      %mul3A_40 = arith.mulf %sub3A, %sub3A_39 : vector<128x1xf32>
      %broadcast_in_dim3A_41 = arith.constant 0.000000e+00 : f32
      %broadcast_in_dim3A_42 = vector.broadcast %broadcast_in_dim3A_41 : f32 to vector<128x1xf32>
      %while3A_43 = arith.constant 0 : i32
      %while3A_44 = arith.subi %while3A_25, %while3A_43 : i32
      %while3A_45 = arith.addi %while3A_43, %while3A_44 : i32
      %while3A_46 = arith.constant 1 : i32
      %while3A_47 = arith.divsi %while3A_44, %while3A_46 : i32
      %while3A_48 = arith.muli %while3A_47, %while3A_46 : i32
      %while3A_49 = arith.addi %while3A_43, %while3A_48 : i32
      %while3A_50 = arith.constant 1 : i32
      %while3A_51 = scf.for %while3A_153 = %while3A_43 to %while3A_49 step %while3A_50 iter_args(%while3A_154 = %broadcast_in_dim3A_42) -> (vector<128x1xf32>)  : i32 {
        %mul3A_155 = arith.constant 128 : i32
        %mul3A_156 = arith.muli %while3A_153, %mul3A_155 : i32
        %get3A_157 = arith.constant 0 : index
        %get3A_158 = arith.index_cast %mul3A_156 : i32 to index
        %get3A_159 = vector.load %arg1[%get3A_157, %get3A_158] : memref<16x5120xf32, #tpu.memory_space<vmem>>, vector<1x128xf32>
        %get3A_160 = arith.constant 1 : index
        %get3A_161 = arith.index_cast %mul3A_156 : i32 to index
        %get3A_162 = vector.load %arg1[%get3A_160, %get3A_161] : memref<16x5120xf32, #tpu.memory_space<vmem>>, vector<1x128xf32>
        %get3A_163 = arith.constant 2 : index
        %get3A_164 = arith.index_cast %mul3A_156 : i32 to index
        %get3A_165 = vector.load %arg1[%get3A_163, %get3A_164] : memref<16x5120xf32, #tpu.memory_space<vmem>>, vector<1x128xf32>
        %get3A_166 = arith.constant 3 : index
        %get3A_167 = arith.index_cast %mul3A_156 : i32 to index
        %get3A_168 = vector.load %arg1[%get3A_166, %get3A_167] : memref<16x5120xf32, #tpu.memory_space<vmem>>, vector<1x128xf32>
        %sub3A_169 = arith.subf %get3A_165, %get3A_159 : vector<1x128xf32>
        %sub3A_170 = arith.subf %get3A_168, %get3A_162 : vector<1x128xf32>
        %mul3A_171 = arith.mulf %sub3A_169, %sub3A_170 : vector<1x128xf32>
        %max3A_172 = vector.broadcast %get3A_29 : vector<128x1xf32> to vector<128x128xf32>
        %max3A_173 = vector.broadcast %get3A_159 : vector<1x128xf32> to vector<128x128xf32>
        %max3A_174 = arith.maximumf %max3A_172, %max3A_173 : vector<128x128xf32>
        %max3A_175 = vector.broadcast %get3A_32 : vector<128x1xf32> to vector<128x128xf32>
        %max3A_176 = vector.broadcast %get3A_162 : vector<1x128xf32> to vector<128x128xf32>
        %max3A_177 = arith.maximumf %max3A_175, %max3A_176 : vector<128x128xf32>
        %min3A_178 = vector.broadcast %get3A_35 : vector<128x1xf32> to vector<128x128xf32>
        %min3A_179 = vector.broadcast %get3A_165 : vector<1x128xf32> to vector<128x128xf32>
        %min3A_180 = arith.minimumf %min3A_178, %min3A_179 : vector<128x128xf32>
        %min3A_181 = vector.broadcast %get3A_38 : vector<128x1xf32> to vector<128x128xf32>
        %min3A_182 = vector.broadcast %get3A_168 : vector<1x128xf32> to vector<128x128xf32>
        %min3A_183 = arith.minimumf %min3A_181, %min3A_182 : vector<128x128xf32>
        %sub3A_184 = arith.subf %min3A_180, %max3A_174 : vector<128x128xf32>
        %max3A_185 = arith.constant 0.000000e+00 : f32
        %max3A_186 = vector.broadcast %max3A_185 : f32 to vector<128x128xf32>
        %max3A_187 = arith.maximumf %sub3A_184, %max3A_186 : vector<128x128xf32>
        %sub3A_188 = arith.subf %min3A_183, %max3A_177 : vector<128x128xf32>
        %max3A_189 = arith.constant 0.000000e+00 : f32
        %max3A_190 = vector.broadcast %max3A_189 : f32 to vector<128x128xf32>
        %max3A_191 = arith.maximumf %sub3A_188, %max3A_190 : vector<128x128xf32>
        %mul3A_192 = arith.mulf %max3A_187, %max3A_191 : vector<128x128xf32>
        %add3A_193 = vector.broadcast %mul3A_40 : vector<128x1xf32> to vector<128x128xf32>
        %add3A_194 = vector.broadcast %mul3A_171 : vector<1x128xf32> to vector<128x128xf32>
        %add3A_195 = arith.addf %add3A_193, %add3A_194 : vector<128x128xf32>
        %sub3A_196 = arith.subf %add3A_195, %mul3A_192 : vector<128x128xf32>
        %max3A_197 = arith.constant 9.99999971E-10 : f32
        %max3A_198 = vector.broadcast %max3A_197 : f32 to vector<128x128xf32>
        %max3A_199 = arith.maximumf %sub3A_196, %max3A_198 : vector<128x128xf32>
        %div3A_200 = arith.divf %mul3A_192, %max3A_199 : vector<128x128xf32>
        %gt3A_201 = arith.constant 5.000000e-01 : f32
        %gt3A_202 = vector.broadcast %gt3A_201 : f32 to vector<128x128xf32>
        %gt3A_203 = arith.cmpf ogt, %div3A_200, %gt3A_202 : vector<128x128xf32>
        %jit3A_204 = arith.constant 1.000000e+00 : f32
        %jit3A_205 = arith.constant 0.000000e+00 : f32
        %broadcast_in_dim3A_206 = vector.broadcast %jit3A_204 : f32 to vector<128x128xf32>
        %broadcast_in_dim3A_207 = vector.broadcast %jit3A_205 : f32 to vector<128x128xf32>
        %select_n3A_208 = arith.select %gt3A_203, %broadcast_in_dim3A_206, %broadcast_in_dim3A_207 : vector<128x128xi1>, vector<128x128xf32>
        %get3A_209 = arith.constant 0 : index
        %get3A_210 = arith.index_cast %mul3A_156 : i32 to index
        %get3A_211 = vector.load %arg4[%get3A_209, %get3A_210] : memref<1x5120xf32, #tpu.memory_space<vmem>>, vector<1x128xf32>
        %mul3A_212 = vector.broadcast %get3A_211 : vector<1x128xf32> to vector<128x128xf32>
        %mul3A_213 = arith.mulf %select_n3A_208, %mul3A_212 : vector<128x128xf32>
        %reduce_sum3A_214 = arith.constant dense<0.000000e+00> : vector<128xf32>
        %reduce_sum3A_215 = vector.multi_reduction <add>, %mul3A_213, %reduce_sum3A_214 [1] : vector<128x128xf32> to vector<128xf32>
        %broadcast_in_dim3A_216 = vector.shape_cast %reduce_sum3A_215 : vector<128xf32> to vector<128x1xf32>
        %add3A_217 = arith.addf %while3A_154, %broadcast_in_dim3A_216 : vector<128x1xf32>
        scf.yield %add3A_217 : vector<128x1xf32>
      }
      %while3A_52 = arith.constant 1 : i32
      %while3A_53 = scf.for %while3A_153 = %while3A_49 to %while3A_45 step %while3A_52 iter_args(%while3A_154 = %while3A_51) -> (vector<128x1xf32>)  : i32 {
        %mul3A_155 = arith.constant 128 : i32
        %mul3A_156 = arith.muli %while3A_153, %mul3A_155 : i32
        %get3A_157 = arith.constant 0 : index
        %get3A_158 = arith.index_cast %mul3A_156 : i32 to index
        %get3A_159 = vector.load %arg1[%get3A_157, %get3A_158] : memref<16x5120xf32, #tpu.memory_space<vmem>>, vector<1x128xf32>
        %get3A_160 = arith.constant 1 : index
        %get3A_161 = arith.index_cast %mul3A_156 : i32 to index
        %get3A_162 = vector.load %arg1[%get3A_160, %get3A_161] : memref<16x5120xf32, #tpu.memory_space<vmem>>, vector<1x128xf32>
        %get3A_163 = arith.constant 2 : index
        %get3A_164 = arith.index_cast %mul3A_156 : i32 to index
        %get3A_165 = vector.load %arg1[%get3A_163, %get3A_164] : memref<16x5120xf32, #tpu.memory_space<vmem>>, vector<1x128xf32>
        %get3A_166 = arith.constant 3 : index
        %get3A_167 = arith.index_cast %mul3A_156 : i32 to index
        %get3A_168 = vector.load %arg1[%get3A_166, %get3A_167] : memref<16x5120xf32, #tpu.memory_space<vmem>>, vector<1x128xf32>
        %sub3A_169 = arith.subf %get3A_165, %get3A_159 : vector<1x128xf32>
        %sub3A_170 = arith.subf %get3A_168, %get3A_162 : vector<1x128xf32>
        %mul3A_171 = arith.mulf %sub3A_169, %sub3A_170 : vector<1x128xf32>
        %max3A_172 = vector.broadcast %get3A_29 : vector<128x1xf32> to vector<128x128xf32>
        %max3A_173 = vector.broadcast %get3A_159 : vector<1x128xf32> to vector<128x128xf32>
        %max3A_174 = arith.maximumf %max3A_172, %max3A_173 : vector<128x128xf32>
        %max3A_175 = vector.broadcast %get3A_32 : vector<128x1xf32> to vector<128x128xf32>
        %max3A_176 = vector.broadcast %get3A_162 : vector<1x128xf32> to vector<128x128xf32>
        %max3A_177 = arith.maximumf %max3A_175, %max3A_176 : vector<128x128xf32>
        %min3A_178 = vector.broadcast %get3A_35 : vector<128x1xf32> to vector<128x128xf32>
        %min3A_179 = vector.broadcast %get3A_165 : vector<1x128xf32> to vector<128x128xf32>
        %min3A_180 = arith.minimumf %min3A_178, %min3A_179 : vector<128x128xf32>
        %min3A_181 = vector.broadcast %get3A_38 : vector<128x1xf32> to vector<128x128xf32>
        %min3A_182 = vector.broadcast %get3A_168 : vector<1x128xf32> to vector<128x128xf32>
        %min3A_183 = arith.minimumf %min3A_181, %min3A_182 : vector<128x128xf32>
        %sub3A_184 = arith.subf %min3A_180, %max3A_174 : vector<128x128xf32>
        %max3A_185 = arith.constant 0.000000e+00 : f32
        %max3A_186 = vector.broadcast %max3A_185 : f32 to vector<128x128xf32>
        %max3A_187 = arith.maximumf %sub3A_184, %max3A_186 : vector<128x128xf32>
        %sub3A_188 = arith.subf %min3A_183, %max3A_177 : vector<128x128xf32>
        %max3A_189 = arith.constant 0.000000e+00 : f32
        %max3A_190 = vector.broadcast %max3A_189 : f32 to vector<128x128xf32>
        %max3A_191 = arith.maximumf %sub3A_188, %max3A_190 : vector<128x128xf32>
        %mul3A_192 = arith.mulf %max3A_187, %max3A_191 : vector<128x128xf32>
        %add3A_193 = vector.broadcast %mul3A_40 : vector<128x1xf32> to vector<128x128xf32>
        %add3A_194 = vector.broadcast %mul3A_171 : vector<1x128xf32> to vector<128x128xf32>
        %add3A_195 = arith.addf %add3A_193, %add3A_194 : vector<128x128xf32>
        %sub3A_196 = arith.subf %add3A_195, %mul3A_192 : vector<128x128xf32>
        %max3A_197 = arith.constant 9.99999971E-10 : f32
        %max3A_198 = vector.broadcast %max3A_197 : f32 to vector<128x128xf32>
        %max3A_199 = arith.maximumf %sub3A_196, %max3A_198 : vector<128x128xf32>
        %div3A_200 = arith.divf %mul3A_192, %max3A_199 : vector<128x128xf32>
        %gt3A_201 = arith.constant 5.000000e-01 : f32
        %gt3A_202 = vector.broadcast %gt3A_201 : f32 to vector<128x128xf32>
        %gt3A_203 = arith.cmpf ogt, %div3A_200, %gt3A_202 : vector<128x128xf32>
        %jit3A_204 = arith.constant 1.000000e+00 : f32
        %jit3A_205 = arith.constant 0.000000e+00 : f32
        %broadcast_in_dim3A_206 = vector.broadcast %jit3A_204 : f32 to vector<128x128xf32>
        %broadcast_in_dim3A_207 = vector.broadcast %jit3A_205 : f32 to vector<128x128xf32>
        %select_n3A_208 = arith.select %gt3A_203, %broadcast_in_dim3A_206, %broadcast_in_dim3A_207 : vector<128x128xi1>, vector<128x128xf32>
        %get3A_209 = arith.constant 0 : index
        %get3A_210 = arith.index_cast %mul3A_156 : i32 to index
        %get3A_211 = vector.load %arg4[%get3A_209, %get3A_210] : memref<1x5120xf32, #tpu.memory_space<vmem>>, vector<1x128xf32>
        %mul3A_212 = vector.broadcast %get3A_211 : vector<1x128xf32> to vector<128x128xf32>
        %mul3A_213 = arith.mulf %select_n3A_208, %mul3A_212 : vector<128x128xf32>
        %reduce_sum3A_214 = arith.constant dense<0.000000e+00> : vector<128xf32>
        %reduce_sum3A_215 = vector.multi_reduction <add>, %mul3A_213, %reduce_sum3A_214 [1] : vector<128x128xf32> to vector<128xf32>
        %broadcast_in_dim3A_216 = vector.shape_cast %reduce_sum3A_215 : vector<128xf32> to vector<128x1xf32>
        %add3A_217 = arith.addf %while3A_154, %broadcast_in_dim3A_216 : vector<128x1xf32>
        scf.yield %add3A_217 : vector<128x1xf32>
      }
      %lt3A_54 = arith.constant 5.000000e-01 : f32
      %lt3A_55 = vector.broadcast %lt3A_54 : f32 to vector<128x1xf32>
      %lt3A_56 = arith.cmpf olt, %while3A_53, %lt3A_55 : vector<128x1xf32>
      %jit3A_57 = arith.constant 1.000000e+00 : f32
      %jit3A_58 = arith.constant 0.000000e+00 : f32
      %broadcast_in_dim3A_59 = vector.broadcast %jit3A_57 : f32 to vector<128x1xf32>
      %broadcast_in_dim3A_60 = vector.broadcast %jit3A_58 : f32 to vector<128x1xf32>
      %select_n3A_61 = arith.select %lt3A_56, %broadcast_in_dim3A_59, %broadcast_in_dim3A_60 : vector<128x1xi1>, vector<128x1xf32>
      %get3A_62 = arith.constant 0 : index
      %get3A_63 = arith.index_cast %mul3A_27 : i32 to index
      %get3A_64 = vector.load %arg1[%get3A_62, %get3A_63] : memref<16x5120xf32, #tpu.memory_space<vmem>>, vector<1x128xf32>
      %get3A_65 = arith.constant 1 : index
      %get3A_66 = arith.index_cast %mul3A_27 : i32 to index
      %get3A_67 = vector.load %arg1[%get3A_65, %get3A_66] : memref<16x5120xf32, #tpu.memory_space<vmem>>, vector<1x128xf32>
      %get3A_68 = arith.constant 2 : index
      %get3A_69 = arith.index_cast %mul3A_27 : i32 to index
      %get3A_70 = vector.load %arg1[%get3A_68, %get3A_69] : memref<16x5120xf32, #tpu.memory_space<vmem>>, vector<1x128xf32>
      %get3A_71 = arith.constant 3 : index
      %get3A_72 = arith.index_cast %mul3A_27 : i32 to index
      %get3A_73 = vector.load %arg1[%get3A_71, %get3A_72] : memref<16x5120xf32, #tpu.memory_space<vmem>>, vector<1x128xf32>
      %sub3A_74 = arith.subf %get3A_70, %get3A_64 : vector<1x128xf32>
      %sub3A_75 = arith.subf %get3A_73, %get3A_67 : vector<1x128xf32>
      %mul3A_76 = arith.mulf %sub3A_74, %sub3A_75 : vector<1x128xf32>
      %max3A = vector.broadcast %get3A_29 : vector<128x1xf32> to vector<128x128xf32>
      %max3A_77 = vector.broadcast %get3A_64 : vector<1x128xf32> to vector<128x128xf32>
      %max3A_78 = arith.maximumf %max3A, %max3A_77 : vector<128x128xf32>
      %max3A_79 = vector.broadcast %get3A_32 : vector<128x1xf32> to vector<128x128xf32>
      %max3A_80 = vector.broadcast %get3A_67 : vector<1x128xf32> to vector<128x128xf32>
      %max3A_81 = arith.maximumf %max3A_79, %max3A_80 : vector<128x128xf32>
      %min3A = vector.broadcast %get3A_35 : vector<128x1xf32> to vector<128x128xf32>
      %min3A_82 = vector.broadcast %get3A_70 : vector<1x128xf32> to vector<128x128xf32>
      %min3A_83 = arith.minimumf %min3A, %min3A_82 : vector<128x128xf32>
      %min3A_84 = vector.broadcast %get3A_38 : vector<128x1xf32> to vector<128x128xf32>
      %min3A_85 = vector.broadcast %get3A_73 : vector<1x128xf32> to vector<128x128xf32>
      %min3A_86 = arith.minimumf %min3A_84, %min3A_85 : vector<128x128xf32>
      %sub3A_87 = arith.subf %min3A_83, %max3A_78 : vector<128x128xf32>
      %max3A_88 = arith.constant 0.000000e+00 : f32
      %max3A_89 = vector.broadcast %max3A_88 : f32 to vector<128x128xf32>
      %max3A_90 = arith.maximumf %sub3A_87, %max3A_89 : vector<128x128xf32>
      %sub3A_91 = arith.subf %min3A_86, %max3A_81 : vector<128x128xf32>
      %max3A_92 = arith.constant 0.000000e+00 : f32
      %max3A_93 = vector.broadcast %max3A_92 : f32 to vector<128x128xf32>
      %max3A_94 = arith.maximumf %sub3A_91, %max3A_93 : vector<128x128xf32>
      %mul3A_95 = arith.mulf %max3A_90, %max3A_94 : vector<128x128xf32>
      %add3A = vector.broadcast %mul3A_40 : vector<128x1xf32> to vector<128x128xf32>
      %add3A_96 = vector.broadcast %mul3A_76 : vector<1x128xf32> to vector<128x128xf32>
      %add3A_97 = arith.addf %add3A, %add3A_96 : vector<128x128xf32>
      %sub3A_98 = arith.subf %add3A_97, %mul3A_95 : vector<128x128xf32>
      %max3A_99 = arith.constant 9.99999971E-10 : f32
      %max3A_100 = vector.broadcast %max3A_99 : f32 to vector<128x128xf32>
      %max3A_101 = arith.maximumf %sub3A_98, %max3A_100 : vector<128x128xf32>
      %div3A = arith.divf %mul3A_95, %max3A_101 : vector<128x128xf32>
      %gt3A = arith.constant 5.000000e-01 : f32
      %gt3A_102 = vector.broadcast %gt3A : f32 to vector<128x128xf32>
      %gt3A_103 = arith.cmpf ogt, %div3A, %gt3A_102 : vector<128x128xf32>
      %jit3A_104 = arith.constant 1.000000e+00 : f32
      %jit3A_105 = arith.constant 0.000000e+00 : f32
      %broadcast_in_dim3A_106 = vector.broadcast %jit3A_104 : f32 to vector<128x128xf32>
      %broadcast_in_dim3A_107 = vector.broadcast %jit3A_105 : f32 to vector<128x128xf32>
      %select_n3A_108 = arith.select %gt3A_103, %broadcast_in_dim3A_106, %broadcast_in_dim3A_107 : vector<128x128xi1>, vector<128x128xf32>
      %mul3A_109 = arith.mulf %select_n3A_108, %select_n3A : vector<128x128xf32>
      %while3A_110 = arith.constant false
      %while3A_111:2 = scf.while (%while3A_153 = %select_n3A_61, %while3A_154 = %while3A_110) : (vector<128x1xf32>, i1) -> (vector<128x1xf32>, i1) {
        %not3A = arith.constant true
        %not3A_155 = arith.xori %while3A_154, %not3A : i1
        scf.condition(%not3A_155) %while3A_153, %while3A_154 : vector<128x1xf32>, i1
      } do {
      ^bb0(%while3A_153: vector<128x1xf32>, %while3A_154: i1):
        %dot_general3A_155 = arith.constant dense<0.000000e+00> : vector<128x1xf32>
        %dot_general3A_156 = tpu.matmul %mul3A_109, %while3A_153, %dot_general3A_155 {dimension_numbers = #tpu.dot_dimension_numbers<[1], [0], [0], [1], [0, 0, 1, 1], [], []>, transpose_lhs_hint = false} : vector<128x128xf32>, vector<128x1xf32>, vector<128x1xf32> -> vector<128x1xf32>
        %lt3A_157 = arith.constant 5.000000e-01 : f32
        %lt3A_158 = vector.broadcast %lt3A_157 : f32 to vector<128x1xf32>
        %lt3A_159 = arith.cmpf olt, %dot_general3A_156, %lt3A_158 : vector<128x1xf32>
        %jit3A_160 = arith.constant 1.000000e+00 : f32
        %jit3A_161 = arith.constant 0.000000e+00 : f32
        %broadcast_in_dim3A_162 = vector.broadcast %jit3A_160 : f32 to vector<128x1xf32>
        %broadcast_in_dim3A_163 = vector.broadcast %jit3A_161 : f32 to vector<128x1xf32>
        %select_n3A_164 = arith.select %lt3A_159, %broadcast_in_dim3A_162, %broadcast_in_dim3A_163 : vector<128x1xi1>, vector<128x1xf32>
        %mul3A_165 = arith.mulf %select_n3A_61, %select_n3A_164 : vector<128x1xf32>
        %eq3A_166 = arith.cmpf oeq, %mul3A_165, %while3A_153 : vector<128x1xf32>
        %reduce_and3A = arith.constant 1.000000e+00 : f32
        %reduce_and3A_167 = arith.constant 0.000000e+00 : f32
        %reduce_and3A_168 = vector.broadcast %reduce_and3A : f32 to vector<128x1xf32>
        %reduce_and3A_169 = vector.broadcast %reduce_and3A_167 : f32 to vector<128x1xf32>
        %reduce_and3A_170 = arith.select %eq3A_166, %reduce_and3A_168, %reduce_and3A_169 : vector<128x1xi1>, vector<128x1xf32>
        %reduce_and3A_171 = vector.shape_cast %reduce_and3A_170 : vector<128x1xf32> to vector<1x128x1xf32>
        %reduce_and3A_172 = arith.constant dense<0x7F800000> : vector<1xf32>
        %reduce_and3A_173 = vector.multi_reduction <minimumf>, %reduce_and3A_171, %reduce_and3A_172 [1, 2] : vector<1x128x1xf32> to vector<1xf32>
        %reduce_and3A_174 = vector.shape_cast %reduce_and3A_173 : vector<1xf32> to vector<1x1x1xf32>
        %reduce_and3A_175 = vector.extract %reduce_and3A_174[0, 0, 0] : f32 from vector<1x1x1xf32>
        %reduce_and3A_176 = arith.constant 0.000000e+00 : f32
        %reduce_and3A_177 = arith.cmpf ogt, %reduce_and3A_175, %reduce_and3A_176 : f32
        scf.yield %mul3A_165, %reduce_and3A_177 : vector<128x1xf32>, i1
      }
      %dot_general3A = arith.constant dense<0.000000e+00> : vector<1x128xf32>
      %dot_general3A_112 = tpu.matmul %while3A_111#0, %select_n3A_13, %dot_general3A {dimension_numbers = #tpu.dot_dimension_numbers<[0], [0], [1], [1], [0, 1, 1, 1], [], []>, transpose_lhs_hint = false} : vector<128x1xf32>, vector<128x128xf32>, vector<1x128xf32> -> vector<1x128xf32>
      %swap3A_113 = arith.constant 0 : index
      %swap3A_114 = arith.index_cast %mul3A_27 : i32 to index
      %swap3A_115 = vector.load %arg4[%swap3A_113, %swap3A_114] : memref<1x5120xf32, #tpu.memory_space<vmem>>, vector<1x128xf32>
      tpu.vector_store %arg4[%swap3A_113, %swap3A_114], %dot_general3A_112 {strides = array<i32>} : memref<1x5120xf32, #tpu.memory_space<vmem>>, vector<1x128xf32>,
      %get3A_116 = arith.constant 9 : index
      %get3A_117 = arith.index_cast %mul3A_27 : i32 to index
      %get3A_118 = vector.load %arg1[%get3A_116, %get3A_117] : memref<16x5120xf32, #tpu.memory_space<vmem>>, vector<1x128xf32>
      %mul3A_119 = arith.mulf %dot_general3A_112, %get3A_118 : vector<1x128xf32>
      %dot_general3A_120 = arith.constant dense<0.000000e+00> : vector<1x128xf32>
      %dot_general3A_121 = tpu.matmul %mul3A_119, %select_n3A_8, %dot_general3A_120 {dimension_numbers = #tpu.dot_dimension_numbers<[1], [0], [0], [1], [0, 0, 1, 1], [], []>, transpose_lhs_hint = false} : vector<1x128xf32>, vector<128x128xf32>, vector<1x128xf32> -> vector<1x128xf32>
      %add3A_122 = vector.broadcast %while3A_26 : f32 to vector<1x128xf32>
      %add3A_123 = arith.addf %add3A_122, %dot_general3A_121 : vector<1x128xf32>
      %eq3A_124 = vector.broadcast %convert_element_type3A : vector<304x1xf32> to vector<304x128xf32>
      %eq3A_125 = vector.broadcast %add3A_123 : vector<1x128xf32> to vector<304x128xf32>
      %eq3A_126 = arith.cmpf oeq, %eq3A_124, %eq3A_125 : vector<304x128xf32>
      %jit3A_127 = arith.constant 1.000000e+00 : f32
      %jit3A_128 = arith.constant 0.000000e+00 : f32
      %broadcast_in_dim3A_129 = vector.broadcast %jit3A_127 : f32 to vector<304x128xf32>
      %broadcast_in_dim3A_130 = vector.broadcast %jit3A_128 : f32 to vector<304x128xf32>
      %select_n3A_131 = arith.select %eq3A_126, %broadcast_in_dim3A_129, %broadcast_in_dim3A_130 : vector<304x128xi1>, vector<304x128xf32>
      %mul3A_132 = vector.broadcast %mul3A_119 : vector<1x128xf32> to vector<304x128xf32>
      %mul3A_133 = arith.mulf %select_n3A_131, %mul3A_132 : vector<304x128xf32>
      %get3A_134 = arith.index_cast %mul3A_27 : i32 to index
      %get3A_135 = arith.constant 4 : index
      %get3A_136 = vector.load %arg0[%get3A_134, %get3A_135] : memref<5120x16xf32, #tpu.memory_space<vmem>>, vector<128x8xf32>
      %get3A_137 = arith.constant 0 : index
      %get3A_138 = arith.constant 0 : index
      %get3A_139 = vector.load %arg2[%get3A_137, %get3A_138] : memref<304x8xf32, #tpu.memory_space<vmem>>, vector<304x8xf32>
      %dot_general3A_140 = arith.constant dense<0.000000e+00> : vector<304x8xf32>
      %dot_general3A_141 = tpu.matmul %mul3A_133, %get3A_136, %dot_general3A_140 {dimension_numbers = #tpu.dot_dimension_numbers<[1], [0], [0], [1], [0, 0, 1, 1], [], []>, precision = #tpu.contract_precision<fp32>, transpose_lhs_hint = false} : vector<304x128xf32>, vector<128x8xf32>, vector<304x8xf32> -> vector<304x8xf32>
      %add3A_142 = arith.addf %get3A_139, %dot_general3A_141 : vector<304x8xf32>
      %swap3A_143 = arith.constant 0 : index
      %swap3A_144 = arith.constant 0 : index
      %swap3A_145 = vector.load %arg2[%swap3A_143, %swap3A_144] : memref<304x8xf32, #tpu.memory_space<vmem>>, vector<304x8xf32>
      tpu.vector_store %arg2[%swap3A_143, %swap3A_144], %add3A_142 {strides = array<i32>} : memref<304x8xf32, #tpu.memory_space<vmem>>, vector<304x8xf32>,
      %add3A_146 = arith.constant 1 : i32
      %add3A_147 = arith.addi %while3A_25, %add3A_146 : i32
      %reduce_sum3A = vector.shape_cast %mul3A_119 : vector<1x128xf32> to vector<1x1x128xf32>
      %reduce_sum3A_148 = arith.constant dense<0.000000e+00> : vector<1xf32>
      %reduce_sum3A_149 = vector.multi_reduction <add>, %reduce_sum3A, %reduce_sum3A_148 [1, 2] : vector<1x1x128xf32> to vector<1xf32>
      %reduce_sum3A_150 = vector.shape_cast %reduce_sum3A_149 : vector<1xf32> to vector<1x1x1xf32>
      %reduce_sum3A_151 = vector.extract %reduce_sum3A_150[0, 0, 0] : f32 from vector<1x1x1xf32>
      %add3A_152 = arith.addf %while3A_26, %reduce_sum3A_151 : f32
      scf.yield %add3A_147, %add3A_152 : i32, f32
    }
    %broadcast_in_dim3A_21 = vector.broadcast %while3A_20#1 : f32 to vector<1x1xf32>
    %swap3A_22 = arith.constant 0 : index
    %swap3A_23 = arith.constant 0 : index
    %swap3A_24 = vector.load %arg3[%swap3A_22, %swap3A_23] : memref<1x1xf32, #tpu.memory_space<vmem>>, vector<1x1xf32>
    tpu.vector_store %arg3[%swap3A_22, %swap3A_23], %broadcast_in_dim3A_21 {strides = array<i32>} : memref<1x1xf32, #tpu.memory_space<vmem>>, vector<1x1xf32>,
    return
  }
}

</mosaic_0001>

<sc_bundles>
// kernel: gather_offload_async_start
scs
__scs_entry_jumppad:
0x0: {  	(pc) =	sbr.rel $0x88, $3  }
0x1: {  	(tag) =	ssettag $0x0;
	lr =	simm.s32 $0x1  }
0x2: {  	[smem:$0x3F9E] =	sst lr;
	_ =	strace $0xD0000000  }
0x3: {  	_ = 	snop  }
0x4: {  	_ = 	snop  }
0x5: {  	_ = 	snop  }
0x6: {  	_ = 	snop  }
0x7: {  	_ = 	snop  }
__scs_overlays_trampoline_lowered:
0x8: {  	[smem:$0x3FAD] =	sst s0  }
0x9: {  	[smem:$0x3FAE] =	sst s1  }
0xa: {  	[smem:$0x3FAF] =	sst s2  }
0xb: {  	[smem:$0x3FB0] =	sst s3  }
0xc: {  	[smem:$0x3FB1] =	sst s4  }
0xd: {  	[smem:$0x3FB2] =	sst s5  }
0xe: {  	[smem:$0x3FB3] =	sst s6  }
0xf: {  	[smem:$0x3FB4] =	sst s7  }
0x10: {  	[smem:$0x3FB5] =	sst s8  }
0x11: {  	[smem:$0x3FB6] =	sst s9;
	s0 =	simm.s32 @!p0 $0x0  }
0x12: {  	s1 =	sld [smem:$0x3F9C];
	s0 =	simm.s32 @p0 $0x1  }
0x13: {  	[smem:$0x3FB7] =	sst s0;
	s0 =	simm.s32 @!p1 $0x0  }
0x14: {  	s2 =	sld [smem:$0x3F9B];
	s0 =	simm.s32 @p1 $0x1  }
0x15: {  	[smem:$0x3FB8] =	sst s0;
	s0 =	simm.s32 @!p2 $0x0  }
0x16: {  	s3 =	sld [smem:$0x3FDB];
	s0 =	simm.s32 @p2 $0x1  }
0x17: {  	s4 =	simm.s32 $0x1BF5;
	[smem:$0x3FBA] =	sst s0  }
0x18: {  	s0 =	sld [smem:$0x3F9D];
	_ =	swait.ge [sflag:s4], $0x0  }
0x19: {  	s7 =	sld [smem:$0x3F9E]  }
0x1a: {  	s8 =	sadd.s32 $0xFFFFE003, lr  }
0x1b: {  	s9 =	sadd.s32 $0xFFFFFEF7, lr;
	s5 =	simm.s32 $0xFFFFFFFF;
	p2 =	slt.u32 s8, $0xFFFFF086  }
0x1c: {  	p1 =	slt.u32 s9, $0xF7A;
	s5 =	simm.s32 @!p2 $0x0  }
0x1d: {  	s5 =	simm.s32 @p1 $0x1;
	p0 =	seq.s32 s7, s2  }
0x1e: {  	s7 =	smul.u32 @!p0 $0xF7A, s2;
	p2 =	seq.s32 @!p0 s5, $0x0  }
0x1f: {  	s9 =	smul.u32 $0xF7A, s1;
	s8 =	simm.s32 @!p0 $0x1BF5;
	p2 =	por !p2, p0  }
0x20: {  	[sflag:s8] =	ssyncset.s32 @!p0 $0xFFFFF086;
	s6 =	sadd.s32 @!p0 s3, s7;
	s7 =	simm.s32 @!p0 $0x108  }
0x21: {  	s3 =	sadd.s32 s3, s9;
	s6 =	sadd.s32 @!p0 $0x88, s6;
	s7 =	simm.s32 @p2 $0x1082  }
0x22: {  	[simem:s7], [sflag:s8] =	dma.local @!p0 [hbm:s6], $0xF7A  }
0x23: {  	s9 =	sor.u32 $0xD0000000, s2;
	s6 =	simm.s32 $0x108;
	_ =	swait.ge @!p0 [sflag:s8], $0x0  }
0x24: {  	s3 =	sadd.s32 $0x88, s3;
	s6 =	simm.s32 @!p1 $0x1082;
	[sflag:s4] =	ssyncset.s32 $0xFFFFF086  }
0x25: {  	[simem:s6], [sflag:s4] =	dma.local [hbm:s3], $0xF7A  }
0x26: {  	[smem:$0x3F9E] =	sst s1;
	(tag) =	ssettag s2;
	_ =	strace s9  }
0x27: {  	s1 =	sld [smem:$0x3FAE]  }
0x28: {  	s2 =	sld [smem:$0x3FAF]  }
0x29: {  	s4 =	sld [smem:$0x3FB1]  }
0x2a: {  	p0 =	seq.s32 s5, $0x0;
	s5 =	sld [smem:$0x3FB2]  }
0x2b: {  	s6 =	sld [smem:$0x3FB3]  }
0x2c: {  	s7 =	sld [smem:$0x3FB4]  }
0x2d: {  	s3 =	simm.s32 $0x108;
	s8 =	sld [smem:$0x3FB5]  }
0x2e: {  	s3 =	simm.s32 @!p0 $0x1082;
	s9 =	sld [smem:$0x3FB6]  }
0x2f: {  	lr =	sadd.s32 s0, s3;
	s0 =	sld [smem:$0x3FAD]  }
0x30: {  	s3 =	sld [smem:$0x3FB0]  }
0x31: {  	[smem:$0x3FB9] =	sst s10  }
0x32: {  	s10 =	sld [smem:$0x3FB7];
	_ =	sdelay $0x3  }
0x33: {  	p0 =	seq.s32 s10, $0x1;
	s10 =	sld [smem:$0x3FB9];
	_ =	sdelay $0x3  }
0x34: {  	[smem:$0x3FB9] =	sst s10  }
0x35: {  	s10 =	sld [smem:$0x3FB8];
	_ =	sdelay $0x3  }
0x36: {  	p1 =	seq.s32 s10, $0x1;
	s10 =	sld [smem:$0x3FB9];
	_ =	sdelay $0x3  }
0x37: {  	[smem:$0x3FB9] =	sst s10  }
0x38: {  	s10 =	sld [smem:$0x3FBA]  }
0x39: {  	_ = 	snop;
	(pc) =	sbr.ind lr, $3  }
0x3a: {  	_ = 	snop  }
0x3b: {  	_ = 	snop  }
0x3c: {  	p2 =	seq.s32 s10, $0x1;
	s10 =	sld [smem:$0x3FB9]  }
0x3d: {  	_ =	shalt  }
0x3e: {  	_ =	shalt  }
0x3f: {  	_ =	shalt  }
0x40: {  	_ =	shalt  }
0x41: {  	_ =	shalt  }
0x42: {  	_ =	shalt  }
0x43: {  	_ =	shalt  }
0x44: {  	_ =	shalt  }
0x45: {  	_ =	shalt  }
0x46: {  	_ =	shalt  }
0x47: {  	_ =	shalt  }
0x48: {  	_ =	shalt  }
0x49: {  	_ =	shalt  }
0x4a: {  	_ =	shalt  }
0x4b: {  	_ =	shalt  }
0x4c: {  	_ =	shalt  }
0x4d: {  	_ =	shalt  }
0x4e: {  	_ =	shalt  }
0x4f: {  	_ =	shalt  }
0x50: {  	_ =	shalt  }
0x51: {  	_ =	shalt  }
0x52: {  	_ =	shalt  }
0x53: {  	_ =	shalt  }
0x54: {  	_ =	shalt  }
0x55: {  	_ =	shalt  }
0x56: {  	_ =	shalt  }
0x57: {  	_ =	shalt  }
0x58: {  	_ =	shalt  }
0x59: {  	_ =	shalt  }
0x5a: {  	_ =	shalt  }
0x5b: {  	_ =	shalt  }
0x5c: {  	_ =	shalt  }
0x5d: {  	_ =	shalt  }
0x5e: {  	_ =	shalt  }
0x5f: {  	_ =	shalt  }
0x60: {  	_ =	shalt  }
0x61: {  	_ =	shalt  }
0x62: {  	_ =	shalt  }
0x63: {  	_ =	shalt  }
0x64: {  	_ =	shalt  }
0x65: {  	_ =	shalt  }
0x66: {  	_ =	shalt  }
0x67: {  	_ =	shalt  }
0x68: {  	_ =	shalt  }
0x69: {  	_ =	shalt  }
0x6a: {  	_ =	shalt  }
0x6b: {  	_ =	shalt  }
0x6c: {  	_ =	shalt  }
0x6d: {  	_ =	shalt  }
0x6e: {  	_ =	shalt  }
0x6f: {  	_ =	shalt  }
0x70: {  	_ =	shalt  }
0x71: {  	_ =	shalt  }
0x72: {  	_ =	shalt  }
0x73: {  	_ =	shalt  }
0x74: {  	_ =	shalt  }
0x75: {  	_ =	shalt  }
0x76: {  	_ =	shalt  }
0x77: {  	_ =	shalt  }
0x78: {  	_ =	shalt  }
0x79: {  	_ =	shalt  }
0x7a: {  	_ =	shalt  }
0x7b: {  	_ =	shalt  }
0x7c: {  	_ =	shalt  }
0x7d: {  	_ =	shalt  }
0x7e: {  	_ =	shalt  }
0x7f: {  	_ =	shalt  }
0x80: {  	_ =	shalt  }
0x81: {  	_ =	shalt  }
0x82: {  	_ =	shalt  }
0x83: {  	_ =	shalt  }
0x84: {  	_ =	shalt  }
0x85: {  	_ =	shalt  }
0x86: {  	_ =	shalt  }
0x87: {  	_ =	shalt  }
.Lfunc_end0:
.L_simem_size_0:
called_computation_lowered:
.L_overlay_start_0:
0x88: {  	s0 =	sld [smem:$0x3FD9]  }
0x89: {  	s1 =	sld [smem:$0x3FFE];
	_ =	sdelay $0x3  }
0x8a: {  	s0 =	sadd.s32 s1, s0  }
0x8b: {  	[smem:$0x3FC5] =	sst s0  }
0x8c: {  	_ = 	snop  }
0x8d: {  	(tm) =	ssettm $0x1  }
0x8e: {  	s15 =	sld [smem:$0x3FFB];
	_ =	sdelay $0x3  }
0x8f: {  	_ =	strace s15  }
0x90: {  	s0 =	sld [smem:$0x3FFC];
	_ =	sdelay $0x3  }
0x91: {  	_ =	strace s0  }
0x92: {  	s0 =	sld [smem:$0x3FFD];
	_ =	sdelay $0x3  }
0x93: {  	_ =	strace s0  }
0x94: {  	_ =	strace $0x8FFFFFFF  }
0x95: {  	s16 =	sld [smem:$0x3FDB];
	_ =	sdelay $0x1  }
0x96: {  	s17 =	simm.s32 $_scs_section_size  }
0x97: {  	s2 =	simm.s32 $_size__tile_overlayer_lowered;
	s3 =	simm.s32 $_tile_overlayer_lowered  }
0x98: {  	s20 =	simm.s32 $0x1BFF;
	s19 =	sshll.u32 s3, $0x1;
	s0 =	sadd.s32 s17, s16  }
0x99: {  	s4 =	simm.s32 $0x0;
	s18 =	sshll.u32 s2, $0x1;
	s2 =	sadd.s32 s19, s0  }
0x9a: {  	[timem:s4], [sflag:s20] =	dma.local [hbm:s2], s18  }
0x9b: {  	_ =	swait.ge [sflag:s20], s18  }
0x9c: {  	s1 =	ssub.s32 $0x0, s18;
	[sflag:s20] =	ssyncset.done $0x0  }
0x9d: {  	[sflag:s20] =	ssyncadd.s32 s1;
	_ =	sdelay $0x1  }
0x9e: {  	s21 =	simm.s32 $0x1B8B  }
0x9f: {  	_ =	swait.ge [sflag:s21], $0x1  }
0xa0: {  	[sflag:s21] =	ssyncset.done $0x0  }
0xa1: {  	s23 =	simm.s32 $0x1B8E;
	s22 =	sld [smem:$0x3FFE];
	[sflag:s21] =	ssyncadd.s32 $0xFFFFFFFF  }
0xa2: {  	s24 =	simm.s32 $execute0_lowered;
	[smem:$0x3FD2] =	sst s23  }
0xa3: {  	s2 =	sshll.u32 s24, $0x1;
	_ =	strace $0x80000046;
	[dreg:$0x1] =	wrdreg $0xFFFFFFFF  }
0xa4: {  	s25 =	simm.s32 $_size_execute0_lowered;
	s0 =	sadd.s32 s0, s2;
	[dreg:$0x0] =	wrdreg $0x0  }
0xa5: {  	s2 =	sshll.u32 s25, $0x1;
	[dreg:$0x2] =	wrdreg s0  }
0xa6: {  	[dreg:$0x3] =	wrdreg s2  }
0xa7: {  	[dreg:$0x4] =	wrdreg $0xC0  }
0xa8: {  	_ =	task [dreg:s4], $0x5FFFF  }
0xa9: {  	[dreg:$0x1] =	wrdreg $0xFFFFFFFF  }
0xaa: {  	[dreg:$0x0] =	wrdreg $0x60  }
0xab: {  	[dreg:$0x2] =	wrdreg s22  }
0xac: {  	[dreg:$0x3] =	wrdreg $0x9  }
0xad: {  	_ =	task.clear_ibuf [dreg:s4], $0x4FFFF;
	_ =	strace $0x90000046  }
0xae: {  	s26 =	simm.s32 $0x9;
	_ =	strace $0x80000048  }
0xaf: {  	_ =	swait.ge [sflag:s26], $0x1  }
0xb0: {  	[sflag:s26] =	ssyncadd.s32 $0xFFFFFFFF  }
0xb1: {  	_ =	strace $0x90000048  }
0xb2: {  	_ =	sfence  }
0xb3: {  	s28 =	sld [smem:$0x0];
	_ =	sdelay $0x1  }
0xb4: {  	s29 =	srdreg.scid  }
0xb5: {  	s30 =	sshll.u32 s29, $0xD;
	s31 =	sshrl.u32 s29, $0x2  }
0xb6: {  	s1 =	sand.u32 $0x1, s29;
	s2 =	sand.u32 $0x4000, s30;
	s0 =	sadd.s32 s31, s28  }
0xb7: {  	s1 =	sor.u32 s2, s1;
	s0 =	sshll.u32 s0, $0x11  }
0xb8: {  	s0 =	sor.u32 s0, s1  }
0xb9: {  	s0 =	sadd.s32 $0x8F2B, s0  }
0xba: {  	[sflag:s0] =	ssyncadd.remote.s32 $0x1  }
0xbb: {  	_ =	sfence.sel $0xFFFF  }
0xbc: {  	[dreg:$0x0] =	wrdreg $0xFFFFFFFF;
	(pc) =	sbr.abs _section_cstart, $3  }
0xbd: {  	[dreg:$0x1] =	wrdreg $0xFFFFFFFF  }
0xbe: {  	_ =	task.clear_ibuf [dreg:s4], $0x2FFFF;
	_ =	strace $0x9FFFFFFF  }
0xbf: {  	(tm) =	ssettm $0x7FFFFFFF  }
tec
execute0_lowered:
.L_overlay_start_1:
0x0: {  	(tag) =	ssettag $0x1  }
0x1: {  	s0 =	stileid.u32  }
0x2: {  	s1 =	smin.u32 s0, $0x9  }
0x3: {  	s1 =	sadd.s32 s0, s1  }
0x4: {  	s2 =	simm.s32 $0x190;
	p0 =	slt.u32 s0, $0x9;
	s1 =	smul.u32 $0xC8, s1  }
0x5: {  	s2 =	simm.s32 @!p0 $0xC8  }
0x6: {  	s2 =	sadd.s32 s2, s1  }
0x7: {  	s3 =	smin.u32 s2, $0x1388  }
0x8: {  	s7 =	ssub.s32 s3, s1  }
0x9: {  	p0 =	sgt.s32 s7, $0x0  }
0xa: {  	s7 =	simm.s32 @!p0 $0x0  }
0xb: {  	s31 =	sand.u32 $0xFFF8, s7  }
0xc: {  	s2 =	sshrl.u32 s31, $0x3  }
0xd: {  	s2 =	smul.u32 $0x147B, s2  }
0xe: {  	s9 =	rddreg [dreg:$0x0];
	s6 =	simm.s32 $0x1;
	s11 =	simm.s32 $0x3  }
0xf: {  	s13 =	simm.s32 $0x0;
	s12 =	simm.s32 $0x0;
	s8 =	sshrl.u32 s2, $0x11  }
0x10: {  	s4 =	sadd.s32 $0x1A00, s9;
	s5 =	sadd.s32 $0x1600, s9;
	s10 =	smul.u32 $0xC8, s8  }
.Ltmp0:
0x11: {  	s9 =	sadd.s32 $0x15400, s9;
	s2 =	rddreg [dreg:$0x1];
	(pc) =	sbr.rel .LBB2_1-.Ltmp0, $4  }
0x12: {  	_ =	strace $0x80000047;
	p0 =	sne.s32 s7, s10;
	s10 =	simm.s32 $0x1  }
0x13: {  	[sflag:s6] =	ssyncpa.u1 $0x0;
	s7 =	simm.s32 $0x2;
	s10 =	simm.s32 @!p0 $0x0  }
0x14: {  	[sflag:s7] =	ssyncpa.u1 $0x0;
	p0 =	por $0x0, $0x0;
	s8 =	sadd.s32 s8, s10  }
0x15: {  	vm0 =	vmmov $0xff;
	vm1 =	vcmask $0x3F20;
	[sflag:s11] =	ssyncpa.u1 $0x0;
	s11 =	smov.u32 s1;
	s10 =	sadd.s32 $0x1, s8  }
.LBB2_6:
0x16: {  	[hbm:s17] =	stream.linear.scatter [tilespmem:s14], [sflag:$0x3], $0x400, $0x38;
	[tilespmem:$0xC990] =	vst v63  }
.LBB2_7:
0x17: {  	s13 =	sadd.s32 $0xC8, s11  }
0x18: {  	s15 =	smov.u32 s1;
	p2 =	slt.s32 s13, s3  }
0x19: {  	s15 =	smov.u32 @p2 s13;
	p2 =	sne.s32 s12, s10  }
.Ltmp1:
0x1a: {  	p1 =	slt.u32 s12, $0x2;
	(pc) =	sbr.rel @!p2 .LBB2_8-.Ltmp1, $4  }
0x1b: {  	s14 =	simm.s32 @!p1 $0x3  }
0x1c: {  	s16 =	sadd.s32 $0x1, s12;
	_ =	swait.ge @!p1 [sflag:s14], $0x6400  }
0x1d: {  	p0 =	por !p0, !p0;
	s13 =	smov.u32 s11;
	[sflag:s14] =	ssyncset.done @!p1 $0x0  }
0x1e: {  	s12 =	smov.u32 s16;
	s11 =	smov.u32 s15;
	[sflag:s14] =	ssyncadd.s32 @!p1 $0xFFFF9C00  }
.LBB2_1:
0x1f: {  	p1 =	sge.u32 s12, s8  }
0x20: {  	s14 =	sxor.u32 @!p1 $0xFFFFFFFF, s12  }
0x21: {  	s14 =	sand.u32 @!p1 $0x1, s14  }
0x22: {  	s14 =	smul.u32 @!p1 $0x320, s14  }
0x23: {  	s31 =	sadd.s32 $0xFFFFFFFF, s12;
	s15 =	sshrl.u32 @!p1 s11, $0x3  }
0x24: {  	s16 =	sand.u32 @!p1 $0x7, s11;
	s15 =	sadd.s32 @!p1 s5, s15;
	s14 =	sshrl.u32 @!p1 s14, $0x2  }
0x25: {  	[tilespmem:s14], [sflag:$0x2] =	stream.linear.gather @!p1 [hbm4b:s15+s16], $0xC8, $0x38;
	[tilespmem:$0xC990] =	vst v63  }
0x26: {  	p1 =	sge.u32 s31, s8  }
.Ltmp2:
0x27: {  	_ = 	snop;
	(pc) =	sbr.rel @p1 .LBB2_7-.Ltmp2, $1  }
0x28: {  	_ =	sdelay $0x3  }
0x29: {  	s14 =	simm.s32 $0x1  }
0x2a: {  	s14 =	simm.s32 @!p0 $0x0  }
0x2b: {  	s15 =	smul.u32 $0x320, s14  }
0x2c: {  	_ =	swait.ge [sflag:s7], $0xC8  }
0x2d: {  	[sflag:s7] =	ssyncset.done $0x0;
	s16 =	sshrl.u32 s15, $0x2  }
0x2e: {  	[sflag:s7] =	ssyncadd.s32 $0xFFFFFF38;
	s15 =	sadd.s32 $0x0, s16  }
0x2f: {  	v0 =	vld.msk [tilespmem:s15+$0x0 ss:$0x1], $0xffff;
	_ =	sdelay $0x4  }
0x30: {  	vm2 =	vgt.s32 v0, $0x0  }
0x31: {  	v0 =	vnsel vm2, $0x0, v0  }
0x32: {  	v0 =	vmin.u32 v0, $0x1387  }
0x33: {  	v0 =	vshll.u32 v0, $0x4  }
0x34: {  	s14 =	smul.u32 $0x19000, s14  }
0x35: {  	s31 =	sand.u32 $0x1, s12  }
0x36: {  	s17 =	smul.u32 $0x320, s31;
	s14 =	sshrl.u32 s14, $0x2  }
0x37: {  	s19 =	smul.u32 $0x19000, s31;
	s14 =	sor.u32 $0x190, s14  }
0x38: {  	[tilespmem:s14], [sflag:$0x1] =	stream.indirect_vreg.gather [hbm:s4], $0x80, v0, vm0, $0x38;
	[tilespmem:$0xC990] =	vst v63  }
0x39: {  	s18 =	sshrl.u32 s17, $0x2;
	s20 =	sadd.s32 $0x10, s16;
	s15 =	sadd.s32 $0x400, s14  }
0x3a: {  	[tilespmem:s15], [sflag:$0x1] =	stream.indirect_vreg.gather [hbm:s4], $0x80, v0, vm1, $0x38;
	[tilespmem:$0xC990] =	vst v63  }
0x3b: {  	s17 =	sshrl.u32 s19, $0x2;
	s19 =	smov.u32 s14;
	v0 =	vld.msk [tilespmem:s20+$0x0 ss:$0x1], $0xffff;
	s20 =	simm.s32 $0x80  }
.LBB2_3:
0x3c: {  	p1 =	sne.s32 s20, $0x2C0;
	_ =	sdelay $0x4  }
0x3d: {  	vm2 =	vgt.s32 v0, $0x0  }
0x3e: {  	v0 =	vnsel vm2, $0x0, v0  }
0x3f: {  	v0 =	vmin.u32 v0, $0x1387  }
0x40: {  	v0 =	vshll.u32 v0, $0x4;
	_ =	sdelay $0x3  }
.Ltmp3:
0x41: {  	s21 =	sshra.s32 s20, $0x2;
	s19 =	sadd.s32 $0x800, s19;
	(pc) =	sbr.rel @p1 .LBB2_3-.Ltmp3, $4  }
0x42: {  	[tilespmem:s19], [sflag:$0x1] =	stream.indirect_vreg.gather [hbm:s4], $0x80, v0, vm0, $0x38;
	[tilespmem:$0xC990] =	vst v63  }
0x43: {  	s21 =	sadd.s32 s21, s16;
	s22 =	sadd.s32 $0x400, s19  }
0x44: {  	[tilespmem:s22], [sflag:$0x1] =	stream.indirect_vreg.gather [hbm:s4], $0x80, v0, vm1, $0x38;
	[tilespmem:$0xC990] =	vst v63  }
0x45: {  	s20 =	sadd.s32 $0x40, s20;
	v0 =	vld.msk [tilespmem:s21+$0x0 ss:$0x1], $0xffff  }
0x46: {  	_ =	sdelay $0x3  }
0x47: {  	vm2 =	vgt.s32 v0, $0x0  }
0x48: {  	v0 =	vnsel vm2, $0x0, v0  }
0x49: {  	v0 =	vmin.u32 v0, $0x1387  }
0x4a: {  	v0 =	vshll.u32 v0, $0x4;
	_ =	sdelay $0x3  }
0x4b: {  	s16 =	sadd.s32 $0x800, s19  }
0x4c: {  	[tilespmem:s16], [sflag:$0x1] =	stream.indirect_vreg.gather [hbm:s4], $0x80, v0, vm0, $0x38;
	[tilespmem:$0xC990] =	vst v63  }
0x4d: {  	s16 =	sadd.s32 $0x400, s16  }
0x4e: {  	[tilespmem:s16], [sflag:$0x1] =	stream.indirect_vreg.gather [hbm:s4], $0x80, v0, vm1, $0x38;
	[tilespmem:$0xC990] =	vst v63  }
0x4f: {  	v0 =	vld.msk [tilespmem:s18+$0xC0 ss:$0x1], $0xff;
	_ =	sdelay $0x4  }
0x50: {  	vm2 =	vgt.s32 v0, $0x0  }
0x51: {  	v0 =	vnsel vm2, $0x0, v0  }
0x52: {  	v0 =	vmin.u32 v0, $0x1387  }
0x53: {  	v0 =	vshll.u32 v0, $0x4;
	_ =	sdelay $0x3  }
0x54: {  	s31 =	sadd.s32 $0x6190, s17  }
0x55: {  	[tilespmem:s31], [sflag:$0x1] =	stream.indirect_vreg.gather [hbm:s4], $0x80, v0, vm0, $0x38;
	[tilespmem:$0xC990] =	vst v63  }
0x56: {  	s13 =	sshll.u32 s13, $0x4;
	_ =	swait.ge [sflag:s6], $0x6400  }
0x57: {  	s13 =	sadd.s32 s13, s9;
	[sflag:s6] =	ssyncset.done $0x0  }
0x58: {  	s17 =	sadd.s32 $0x0, s13;
	s16 =	simm.s32 $0x80;
	[sflag:s6] =	ssyncadd.s32 $0xFFFF9C00  }
.LBB2_5:
0x59: {  	[hbm:s17] =	stream.linear.scatter [tilespmem:s14], [sflag:$0x3], $0x400, $0x38;
	[tilespmem:$0xC990] =	vst v63  }
0x5a: {  	s17 =	smov.u32 s16;
	s14 =	smov.u32 s15;
	p1 =	sne.s32 s16, $0xC00  }
.Ltmp4:
0x5b: {  	s16 =	sadd.s32 $0x80, s16;
	(pc) =	sbr.rel @p1 .LBB2_5-.Ltmp4, $2  }
0x5c: {  	_ =	sdelay $0x2  }
0x5d: {  	s15 =	sadd.s32 $0x400, s15;
	s17 =	sadd.s32 s17, s13  }
.Ltmp5:
0x5e: {  	_ = 	snop;
	(pc) =	sbr.rel .LBB2_6-.Ltmp5, $1  }
0x5f: {  	_ =	sdelay $0x3  }
.LBB2_8:
0x60: {  	_ =	sfence.sel $0x180000  }
0x61: {  	s1 =	simm.s32 $0x2;
	[bflag:$0x0] =	sbarrier.arrive $0xFFFF  }
0x62: {  	s30 =	simm.s32 $0x3;
	[sflag:s1] =	ssyncpa.u1 $0x1  }
0x63: {  	s31 =	simm.s32 $0x1;
	[sflag:s30] =	ssyncpa.u1 $0x1  }
0x64: {  	[sflag:s31] =	ssyncpa.u1 $0x1  }
0x65: {  	p0 =	sne.s32 s0, $0x0;
	_ =	strace $0x90000047  }
0x66: {  	s0 =	sadd.s32 @!p0 $0x100000, s2;
	[bflag:$0x2] =	sbarrier.arrive $0xFFFF  }
0x67: {  	[sflag:s0] =	ssyncadd.tile.s32 @!p0 $0x1;
	_ =	shalt  }
.Lfunc_end2:
_tile_overlayer_lowered:
.L_overlay_start_2:
0x68: {  	(tag) =	ssettag $0x2  }
0x69: {  	s0 =	rddreg [dreg:$0x0];
	s2 =	stileid.u32  }
0x6a: {  	s1 =	rddreg [dreg:$0x1];
	p0 =	sne.s32 s2, $0x0  }
0x6b: {  	s3 =	rddreg [dreg:$0x2];
	[bflag:$0x3] =	sbarrier.arrive $0xFFFF;
	s2 =	simm.s32 @!p0 $0x1C01  }
0x6c: {  	[timem:s3], [sflag:s2] =	dma.local @!p0 [hbm:s0], s1  }
0x6d: {  	s0 =	simm.s32 @!p0 $0x1  }
0x6e: {  	_ =	swait.ge @!p0 [sflag:s0], s1  }
0x6f: {  	s1 =	ssub.s32 @!p0 $0x0, s1;
	[sflag:s0] =	ssyncset.done @!p0 $0x0  }
0x70: {  	[sflag:s0] =	ssyncadd.s32 @!p0 s1  }
0x71: {  	[bflag:$0x3] =	sbarrier.arrive $0xFFFF  }
0x72: {  	_ =	shalt  }

</sc_bundles>
